<compile_context>
chip_gen: v7x
topology: tpu7x:2x2x1
jax: 0.10.2.dev20260603
libtpu: 0.0.44.dev20260713+nightly
codegen_flags: <defaults>
</compile_context>

<pallas_src>
import functools

import jax
import jax.numpy as jnp
from jax import lax
from jax.experimental import pallas as pl
from jax.experimental.pallas import tpu as pltpu
from jax.experimental.pallas import tpu_sc as plsc

_NC = 2
_NS = 16
_L = 16
_NW = _NC * _NS

_B = 16384
_N = 6
_M = 20
_BPW = _B // _NW
_GROUPS = _BPW // _L

_PAIRS = ((0, 1), (0, 2), (0, 3), (0, 4), (1, 5), (2, 5),
          (3, 5), (4, 5), (1, 2), (2, 3), (3, 4), (1, 4))
_TRIPLES = ((0, 1, 2), (0, 2, 3), (0, 3, 4), (0, 1, 4),
            (1, 2, 5), (2, 3, 5), (3, 4, 5), (1, 4, 5))
_HALF = 0.5
_THIRD = 1.0 / 3.0


def _sc_body(ft_hbm, out_hbm, ft_v, out_v):
    wid = lax.axis_index("s") * _NC + lax.axis_index("c")
    base = wid * _BPW
    pltpu.sync_copy(ft_hbm.at[:, pl.ds(base, _BPW)], ft_v)

    def body(g, carry):
        lanes = pl.ds(g * _L, _L)
        f = [ft_v[n, lanes] for n in range(_N)]
        psum = {p: f[p[0]] + f[p[1]] for p in _PAIRS}
        for m, p in enumerate(_PAIRS):
            out_v[m, lanes] = psum[p] * _HALF
        for t, (i, j, k) in enumerate(_TRIPLES):
            if (i, j) in psum:
                s3 = psum[(i, j)] + f[k]
            else:
                s3 = psum[(j, k)] + f[i]
            out_v[12 + t, lanes] = s3 * _THIRD
        return carry

    lax.fori_loop(0, _GROUPS, body, 0)
    pltpu.sync_copy(out_v, out_hbm.at[:, pl.ds(base, _BPW)])


def kernel(f_values, W):
    del W
    mesh = plsc.VectorSubcoreMesh(core_axis_name="c", subcore_axis_name="s")
    run = functools.partial(
        pl.kernel,
        out_type=jax.ShapeDtypeStruct((_M, _B), jnp.float32),
        mesh=mesh,
        compiler_params=pltpu.CompilerParams(
            skip_device_barrier=True,
            disable_bounds_checks=True,
            disable_semaphore_checks=True,
        ),
        scratch_types=[
            pltpu.VMEM((_N, _BPW), jnp.float32),
            pltpu.VMEM((_M, _BPW), jnp.float32),
        ],
    )(_sc_body)
    out_t = run(f_values.T)
    return out_t.T

# --- scband reference (transcript-rebuilt; emitter-appended) ---
"""Pipeline reference for scband-barycentric-interpolator-63720134803868 (READ-ONLY COPY).

The authoritative reference and input builder live on the scoring server;
editing this copy changes nothing except your own understanding.
"""

import jax, jax.numpy as jnp
import numpy as np


def _build_transform_matrix():
    pi = np.pi
    phis = np.array([0.0, pi / 2, pi, 3 * pi / 2])
    init_vertices = np.array([[0.0, 0.0], [0.0, pi / 2], [pi / 2, pi / 2],
                              [pi, pi / 2], [3 * pi / 2, pi / 2], [0.0, pi]])
    th_c = np.arccos(1.0 / np.sqrt(3.0))
    ext = []
    for p in phis:
        ext.append([p, pi / 4])
    for p in phis:
        ext.append([p, 3 * pi / 4])
    for p in phis:
        ext.append([p + pi / 4, pi / 2])
    for p in phis:
        ext.append([p + pi / 4, th_c])
    for p in phis:
        ext.append([p + pi / 4, pi - th_c])
    extended = np.array(ext)
    tri = np.array([[0, 1, 2], [0, 2, 3], [0, 3, 4], [0, 4, 1],
                    [5, 2, 1], [5, 3, 2], [5, 4, 3], [5, 1, 4]])

    def to_cart(v):
        phi, th = v[:, 0], v[:, 1]
        c = np.stack([np.sin(th) * np.cos(phi), np.sin(th) * np.sin(phi), np.cos(th)], 1)
        return c / np.linalg.norm(c, axis=1, keepdims=True)

    V = to_cart(init_vertices)
    P = to_cart(extended)
    T = V[tri]
    n_ab = np.cross(T[:, 0], T[:, 1])
    flip = np.einsum('ij,ij->i', n_ab, T[:, 2]) < 0
    T[flip] = T[flip][:, [0, 2, 1], :]
    tri_o = tri.copy()
    tri_o[flip] = tri_o[flip][:, [0, 2, 1]]
    tol = 1e-10

    def sarea(a, b, c):
        num = np.dot(a, np.cross(b, c))
        den = 1.0 + a @ b + b @ c + c @ a
        return abs(2.0 * np.arctan2(num, den))

    N, M = V.shape[0], P.shape[0]
    W = np.zeros((N, M))
    centroids = T.mean(axis=1)
    centroids /= np.linalg.norm(centroids, axis=1, keepdims=True)
    for m in range(M):
        p = P[m]
        hit = -1
        for t in range(T.shape[0]):
            a, b, c = T[t]
            if (np.dot(np.cross(a, b), p) >= -tol
                    and np.dot(np.cross(b, c), p) >= -tol
                    and np.dot(np.cross(c, a), p) >= -tol):
                hit = t
                break
        if hit < 0:
            hit = int(np.argmax(centroids @ p))
        a, b, c = T[hit]
        wa = sarea(p, b, c)
        wb = sarea(a, p, c)
        wc = sarea(a, b, p)
        w = np.array([wa, wb, wc])
        w = w / w.sum()
        W[tri_o[hit], m] = w
    return W.astype(np.float32)


def setup_inputs(seed: int = 0) -> dict:
    key = jax.random.key(seed)
    f_values = jax.random.normal(key, (16384, 6), dtype=jnp.float32)
    W = jnp.asarray(_build_transform_matrix())
    return {"f_values": f_values, "W": W}


def reference(f_values, W):
    # f_extended = f_base @ W, W shape (N, M) built from spherical barycentric weights
    return f_values @ W

if __name__ == "__main__":
    import jax
    _d = setup_inputs()
    print(jax.jit(kernel)(*tuple(_d.values())))

</pallas_src>

<mosaic_0001>
#map = affine_map<(d0, d1) -> (0, 0)>
module attributes {stable_mosaic.version = 14 : i64} {
  func.func @_sc_body(%arg0: i32, %arg1: i32, %arg2: memref<6x16384xf32, #tpu.memory_space<hbm>>, %arg3: memref<20x16384xf32, #tpu.memory_space<hbm>>, %arg4: memref<6x512xf32, #tpu.memory_space<vmem>>, %arg5: memref<20x512xf32, #tpu.memory_space<vmem>>) attributes {dimension_semantics = [#tpu.dimension_semantics<core_parallel>, #tpu.dimension_semantics<subcore_parallel>], iteration_bounds = array<i64: 2, 16>, scalar_prefetch = 0 : i64, scratch_operands = 2 : i64, tpu.core_type = #tpu.core_type<sc_vector_subcore>, window_params = [{transform_indices = #map}, {transform_indices = #map}]} {
    %mul3A = arith.constant 2 : i32
    %mul3A_0 = arith.muli %arg1, %mul3A : i32
    %add3A = arith.addi %mul3A_0, %arg0 : i32
    %mul3A_1 = arith.constant 512 : i32
    %mul3A_2 = arith.muli %add3A, %mul3A_1 : i32
    "tpu.region"() ({
      %run_scoped3A = tpu.sem_alloc : memref<!tpu.dma_semaphore, #tpu.memory_space<semaphore_mem>>
      %dma_start3A = arith.constant 0 : i32
      %dma_start3A_8 = tpu.memref_slice %arg2[%dma_start3A, %mul3A_2] : memref<6x16384xf32, #tpu.memory_space<hbm>> -> memref<6x512xf32, #tpu.memory_space<hbm>>
      %dma_start3A_9 = arith.constant 0 : i32
      %dma_start3A_10 = tpu.memref_slice %arg2[%dma_start3A_9, %mul3A_2] : memref<6x16384xf32, #tpu.memory_space<hbm>> -> memref<6x512xf32, #tpu.memory_space<hbm>>
      tpu.enqueue_dma source(%dma_start3A_10 : memref<6x512xf32, #tpu.memory_space<hbm>>) target(%arg4 : memref<6x512xf32, #tpu.memory_space<vmem>>) target_semaphore(%run_scoped3A : memref<!tpu.dma_semaphore, #tpu.memory_space<semaphore_mem>>)
      %dma_wait3A = arith.constant 0 : i32
      %dma_wait3A_11 = tpu.memref_slice %arg2[%dma_wait3A, %mul3A_2] : memref<6x16384xf32, #tpu.memory_space<hbm>> -> memref<6x512xf32, #tpu.memory_space<hbm>>
      %dma_wait3A_12 = arith.constant 0 : i32
      %dma_wait3A_13 = tpu.memref_slice %arg2[%dma_wait3A_12, %mul3A_2] : memref<6x16384xf32, #tpu.memory_space<hbm>> -> memref<6x512xf32, #tpu.memory_space<hbm>>
      tpu.wait_dma2 semaphore(%run_scoped3A : memref<!tpu.dma_semaphore, #tpu.memory_space<semaphore_mem>>) src(%dma_wait3A_13 : memref<6x512xf32, #tpu.memory_space<hbm>>) dst(%arg4 : memref<6x512xf32, #tpu.memory_space<vmem>>)
      tpu.yield
    }) : () -> ()
    %scan3A = arith.constant 0 : i32
    %scan3A_3 = arith.constant 0 : i32
    %scan3A_4 = arith.constant 32 : i32
    %scan3A_5 = arith.addi %scan3A_3, %scan3A_4 : i32
    %scan3A_6 = arith.constant 1 : i32
    scf.for %scan3A_8 = %scan3A_3 to %scan3A_5 step %scan3A_6  : i32 {
      %mul3A_9 = arith.constant 16 : i32
      %mul3A_10 = arith.muli %scan3A_8, %mul3A_9 : i32
      %get3A = arith.constant 0 : i32
      %get3A_11 = arith.index_cast %get3A : i32 to index
      %get3A_12 = arith.index_cast %mul3A_10 : i32 to index
      %get3A_13 = tpu.vector_load %arg4[%get3A_11, %get3A_12] {strides = array<i32>} : memref<6x512xf32, #tpu.memory_space<vmem>>, vector<1x16xf32>,
      %get3A_14 = vector.shape_cast %get3A_13 : vector<1x16xf32> to vector<16xf32>
      %get3A_15 = arith.constant 1 : i32
      %get3A_16 = arith.index_cast %get3A_15 : i32 to index
      %get3A_17 = arith.index_cast %mul3A_10 : i32 to index
      %get3A_18 = tpu.vector_load %arg4[%get3A_16, %get3A_17] {strides = array<i32>} : memref<6x512xf32, #tpu.memory_space<vmem>>, vector<1x16xf32>,
      %get3A_19 = vector.shape_cast %get3A_18 : vector<1x16xf32> to vector<16xf32>
      %get3A_20 = arith.constant 2 : i32
      %get3A_21 = arith.index_cast %get3A_20 : i32 to index
      %get3A_22 = arith.index_cast %mul3A_10 : i32 to index
      %get3A_23 = tpu.vector_load %arg4[%get3A_21, %get3A_22] {strides = array<i32>} : memref<6x512xf32, #tpu.memory_space<vmem>>, vector<1x16xf32>,
      %get3A_24 = vector.shape_cast %get3A_23 : vector<1x16xf32> to vector<16xf32>
      %get3A_25 = arith.constant 3 : i32
      %get3A_26 = arith.index_cast %get3A_25 : i32 to index
      %get3A_27 = arith.index_cast %mul3A_10 : i32 to index
      %get3A_28 = tpu.vector_load %arg4[%get3A_26, %get3A_27] {strides = array<i32>} : memref<6x512xf32, #tpu.memory_space<vmem>>, vector<1x16xf32>,
      %get3A_29 = vector.shape_cast %get3A_28 : vector<1x16xf32> to vector<16xf32>
      %get3A_30 = arith.constant 4 : i32
      %get3A_31 = arith.index_cast %get3A_30 : i32 to index
      %get3A_32 = arith.index_cast %mul3A_10 : i32 to index
      %get3A_33 = tpu.vector_load %arg4[%get3A_31, %get3A_32] {strides = array<i32>} : memref<6x512xf32, #tpu.memory_space<vmem>>, vector<1x16xf32>,
      %get3A_34 = vector.shape_cast %get3A_33 : vector<1x16xf32> to vector<16xf32>
      %get3A_35 = arith.constant 5 : i32
      %get3A_36 = arith.index_cast %get3A_35 : i32 to index
      %get3A_37 = arith.index_cast %mul3A_10 : i32 to index
      %get3A_38 = tpu.vector_load %arg4[%get3A_36, %get3A_37] {strides = array<i32>} : memref<6x512xf32, #tpu.memory_space<vmem>>, vector<1x16xf32>,
      %get3A_39 = vector.shape_cast %get3A_38 : vector<1x16xf32> to vector<16xf32>
      %add3A_40 = arith.addf %get3A_14, %get3A_19 : vector<16xf32>
      %add3A_41 = arith.addf %get3A_14, %get3A_24 : vector<16xf32>
      %add3A_42 = arith.addf %get3A_14, %get3A_29 : vector<16xf32>
      %add3A_43 = arith.addf %get3A_14, %get3A_34 : vector<16xf32>
      %add3A_44 = arith.addf %get3A_19, %get3A_39 : vector<16xf32>
      %add3A_45 = arith.addf %get3A_24, %get3A_39 : vector<16xf32>
      %add3A_46 = arith.addf %get3A_29, %get3A_39 : vector<16xf32>
      %add3A_47 = arith.addf %get3A_34, %get3A_39 : vector<16xf32>
      %add3A_48 = arith.addf %get3A_19, %get3A_24 : vector<16xf32>
      %add3A_49 = arith.addf %get3A_24, %get3A_29 : vector<16xf32>
      %add3A_50 = arith.addf %get3A_29, %get3A_34 : vector<16xf32>
      %add3A_51 = arith.addf %get3A_19, %get3A_34 : vector<16xf32>
      %mul3A_52 = arith.constant 5.000000e-01 : f32
      %mul3A_53 = vector.broadcast %mul3A_52 : f32 to vector<16xf32>
      %mul3A_54 = arith.mulf %add3A_40, %mul3A_53 : vector<16xf32>
      %swap3A = arith.constant 0 : i32
      %swap3A_55 = arith.index_cast %swap3A : i32 to index
      %swap3A_56 = arith.index_cast %mul3A_10 : i32 to index
      %swap3A_57 = tpu.vector_load %arg5[%swap3A_55, %swap3A_56] {strides = array<i32>} : memref<20x512xf32, #tpu.memory_space<vmem>>, vector<1x16xf32>,
      %swap3A_58 = vector.shape_cast %swap3A_57 : vector<1x16xf32> to vector<16xf32>
      %swap3A_59 = vector.shape_cast %mul3A_54 : vector<16xf32> to vector<1x16xf32>
      tpu.vector_store %arg5[%swap3A_55, %swap3A_56], %swap3A_59 {strides = array<i32>} : memref<20x512xf32, #tpu.memory_space<vmem>>, vector<1x16xf32>,
      %mul3A_60 = arith.constant 5.000000e-01 : f32
      %mul3A_61 = vector.broadcast %mul3A_60 : f32 to vector<16xf32>
      %mul3A_62 = arith.mulf %add3A_41, %mul3A_61 : vector<16xf32>
      %swap3A_63 = arith.constant 1 : i32
      %swap3A_64 = arith.index_cast %swap3A_63 : i32 to index
      %swap3A_65 = arith.index_cast %mul3A_10 : i32 to index
      %swap3A_66 = tpu.vector_load %arg5[%swap3A_64, %swap3A_65] {strides = array<i32>} : memref<20x512xf32, #tpu.memory_space<vmem>>, vector<1x16xf32>,
      %swap3A_67 = vector.shape_cast %swap3A_66 : vector<1x16xf32> to vector<16xf32>
      %swap3A_68 = vector.shape_cast %mul3A_62 : vector<16xf32> to vector<1x16xf32>
      tpu.vector_store %arg5[%swap3A_64, %swap3A_65], %swap3A_68 {strides = array<i32>} : memref<20x512xf32, #tpu.memory_space<vmem>>, vector<1x16xf32>,
      %mul3A_69 = arith.constant 5.000000e-01 : f32
      %mul3A_70 = vector.broadcast %mul3A_69 : f32 to vector<16xf32>
      %mul3A_71 = arith.mulf %add3A_42, %mul3A_70 : vector<16xf32>
      %swap3A_72 = arith.constant 2 : i32
      %swap3A_73 = arith.index_cast %swap3A_72 : i32 to index
      %swap3A_74 = arith.index_cast %mul3A_10 : i32 to index
      %swap3A_75 = tpu.vector_load %arg5[%swap3A_73, %swap3A_74] {strides = array<i32>} : memref<20x512xf32, #tpu.memory_space<vmem>>, vector<1x16xf32>,
      %swap3A_76 = vector.shape_cast %swap3A_75 : vector<1x16xf32> to vector<16xf32>
      %swap3A_77 = vector.shape_cast %mul3A_71 : vector<16xf32> to vector<1x16xf32>
      tpu.vector_store %arg5[%swap3A_73, %swap3A_74], %swap3A_77 {strides = array<i32>} : memref<20x512xf32, #tpu.memory_space<vmem>>, vector<1x16xf32>,
      %mul3A_78 = arith.constant 5.000000e-01 : f32
      %mul3A_79 = vector.broadcast %mul3A_78 : f32 to vector<16xf32>
      %mul3A_80 = arith.mulf %add3A_43, %mul3A_79 : vector<16xf32>
      %swap3A_81 = arith.constant 3 : i32
      %swap3A_82 = arith.index_cast %swap3A_81 : i32 to index
      %swap3A_83 = arith.index_cast %mul3A_10 : i32 to index
      %swap3A_84 = tpu.vector_load %arg5[%swap3A_82, %swap3A_83] {strides = array<i32>} : memref<20x512xf32, #tpu.memory_space<vmem>>, vector<1x16xf32>,
      %swap3A_85 = vector.shape_cast %swap3A_84 : vector<1x16xf32> to vector<16xf32>
      %swap3A_86 = vector.shape_cast %mul3A_80 : vector<16xf32> to vector<1x16xf32>
      tpu.vector_store %arg5[%swap3A_82, %swap3A_83], %swap3A_86 {strides = array<i32>} : memref<20x512xf32, #tpu.memory_space<vmem>>, vector<1x16xf32>,
      %mul3A_87 = arith.constant 5.000000e-01 : f32
      %mul3A_88 = vector.broadcast %mul3A_87 : f32 to vector<16xf32>
      %mul3A_89 = arith.mulf %add3A_44, %mul3A_88 : vector<16xf32>
      %swap3A_90 = arith.constant 4 : i32
      %swap3A_91 = arith.index_cast %swap3A_90 : i32 to index
      %swap3A_92 = arith.index_cast %mul3A_10 : i32 to index
      %swap3A_93 = tpu.vector_load %arg5[%swap3A_91, %swap3A_92] {strides = array<i32>} : memref<20x512xf32, #tpu.memory_space<vmem>>, vector<1x16xf32>,
      %swap3A_94 = vector.shape_cast %swap3A_93 : vector<1x16xf32> to vector<16xf32>
      %swap3A_95 = vector.shape_cast %mul3A_89 : vector<16xf32> to vector<1x16xf32>
      tpu.vector_store %arg5[%swap3A_91, %swap3A_92], %swap3A_95 {strides = array<i32>} : memref<20x512xf32, #tpu.memory_space<vmem>>, vector<1x16xf32>,
      %mul3A_96 = arith.constant 5.000000e-01 : f32
      %mul3A_97 = vector.broadcast %mul3A_96 : f32 to vector<16xf32>
      %mul3A_98 = arith.mulf %add3A_45, %mul3A_97 : vector<16xf32>
      %swap3A_99 = arith.constant 5 : i32
      %swap3A_100 = arith.index_cast %swap3A_99 : i32 to index
      %swap3A_101 = arith.index_cast %mul3A_10 : i32 to index
      %swap3A_102 = tpu.vector_load %arg5[%swap3A_100, %swap3A_101] {strides = array<i32>} : memref<20x512xf32, #tpu.memory_space<vmem>>, vector<1x16xf32>,
      %swap3A_103 = vector.shape_cast %swap3A_102 : vector<1x16xf32> to vector<16xf32>
      %swap3A_104 = vector.shape_cast %mul3A_98 : vector<16xf32> to vector<1x16xf32>
      tpu.vector_store %arg5[%swap3A_100, %swap3A_101], %swap3A_104 {strides = array<i32>} : memref<20x512xf32, #tpu.memory_space<vmem>>, vector<1x16xf32>,
      %mul3A_105 = arith.constant 5.000000e-01 : f32
      %mul3A_106 = vector.broadcast %mul3A_105 : f32 to vector<16xf32>
      %mul3A_107 = arith.mulf %add3A_46, %mul3A_106 : vector<16xf32>
      %swap3A_108 = arith.constant 6 : i32
      %swap3A_109 = arith.index_cast %swap3A_108 : i32 to index
      %swap3A_110 = arith.index_cast %mul3A_10 : i32 to index
      %swap3A_111 = tpu.vector_load %arg5[%swap3A_109, %swap3A_110] {strides = array<i32>} : memref<20x512xf32, #tpu.memory_space<vmem>>, vector<1x16xf32>,
      %swap3A_112 = vector.shape_cast %swap3A_111 : vector<1x16xf32> to vector<16xf32>
      %swap3A_113 = vector.shape_cast %mul3A_107 : vector<16xf32> to vector<1x16xf32>
      tpu.vector_store %arg5[%swap3A_109, %swap3A_110], %swap3A_113 {strides = array<i32>} : memref<20x512xf32, #tpu.memory_space<vmem>>, vector<1x16xf32>,
      %mul3A_114 = arith.constant 5.000000e-01 : f32
      %mul3A_115 = vector.broadcast %mul3A_114 : f32 to vector<16xf32>
      %mul3A_116 = arith.mulf %add3A_47, %mul3A_115 : vector<16xf32>
      %swap3A_117 = arith.constant 7 : i32
      %swap3A_118 = arith.index_cast %swap3A_117 : i32 to index
      %swap3A_119 = arith.index_cast %mul3A_10 : i32 to index
      %swap3A_120 = tpu.vector_load %arg5[%swap3A_118, %swap3A_119] {strides = array<i32>} : memref<20x512xf32, #tpu.memory_space<vmem>>, vector<1x16xf32>,
      %swap3A_121 = vector.shape_cast %swap3A_120 : vector<1x16xf32> to vector<16xf32>
      %swap3A_122 = vector.shape_cast %mul3A_116 : vector<16xf32> to vector<1x16xf32>
      tpu.vector_store %arg5[%swap3A_118, %swap3A_119], %swap3A_122 {strides = array<i32>} : memref<20x512xf32, #tpu.memory_space<vmem>>, vector<1x16xf32>,
      %mul3A_123 = arith.constant 5.000000e-01 : f32
      %mul3A_124 = vector.broadcast %mul3A_123 : f32 to vector<16xf32>
      %mul3A_125 = arith.mulf %add3A_48, %mul3A_124 : vector<16xf32>
      %swap3A_126 = arith.constant 8 : i32
      %swap3A_127 = arith.index_cast %swap3A_126 : i32 to index
      %swap3A_128 = arith.index_cast %mul3A_10 : i32 to index
      %swap3A_129 = tpu.vector_load %arg5[%swap3A_127, %swap3A_128] {strides = array<i32>} : memref<20x512xf32, #tpu.memory_space<vmem>>, vector<1x16xf32>,
      %swap3A_130 = vector.shape_cast %swap3A_129 : vector<1x16xf32> to vector<16xf32>
      %swap3A_131 = vector.shape_cast %mul3A_125 : vector<16xf32> to vector<1x16xf32>
      tpu.vector_store %arg5[%swap3A_127, %swap3A_128], %swap3A_131 {strides = array<i32>} : memref<20x512xf32, #tpu.memory_space<vmem>>, vector<1x16xf32>,
      %mul3A_132 = arith.constant 5.000000e-01 : f32
      %mul3A_133 = vector.broadcast %mul3A_132 : f32 to vector<16xf32>
      %mul3A_134 = arith.mulf %add3A_49, %mul3A_133 : vector<16xf32>
      %swap3A_135 = arith.constant 9 : i32
      %swap3A_136 = arith.index_cast %swap3A_135 : i32 to index
      %swap3A_137 = arith.index_cast %mul3A_10 : i32 to index
      %swap3A_138 = tpu.vector_load %arg5[%swap3A_136, %swap3A_137] {strides = array<i32>} : memref<20x512xf32, #tpu.memory_space<vmem>>, vector<1x16xf32>,
      %swap3A_139 = vector.shape_cast %swap3A_138 : vector<1x16xf32> to vector<16xf32>
      %swap3A_140 = vector.shape_cast %mul3A_134 : vector<16xf32> to vector<1x16xf32>
      tpu.vector_store %arg5[%swap3A_136, %swap3A_137], %swap3A_140 {strides = array<i32>} : memref<20x512xf32, #tpu.memory_space<vmem>>, vector<1x16xf32>,
      %mul3A_141 = arith.constant 5.000000e-01 : f32
      %mul3A_142 = vector.broadcast %mul3A_141 : f32 to vector<16xf32>
      %mul3A_143 = arith.mulf %add3A_50, %mul3A_142 : vector<16xf32>
      %swap3A_144 = arith.constant 10 : i32
      %swap3A_145 = arith.index_cast %swap3A_144 : i32 to index
      %swap3A_146 = arith.index_cast %mul3A_10 : i32 to index
      %swap3A_147 = tpu.vector_load %arg5[%swap3A_145, %swap3A_146] {strides = array<i32>} : memref<20x512xf32, #tpu.memory_space<vmem>>, vector<1x16xf32>,
      %swap3A_148 = vector.shape_cast %swap3A_147 : vector<1x16xf32> to vector<16xf32>
      %swap3A_149 = vector.shape_cast %mul3A_143 : vector<16xf32> to vector<1x16xf32>
      tpu.vector_store %arg5[%swap3A_145, %swap3A_146], %swap3A_149 {strides = array<i32>} : memref<20x512xf32, #tpu.memory_space<vmem>>, vector<1x16xf32>,
      %mul3A_150 = arith.constant 5.000000e-01 : f32
      %mul3A_151 = vector.broadcast %mul3A_150 : f32 to vector<16xf32>
      %mul3A_152 = arith.mulf %add3A_51, %mul3A_151 : vector<16xf32>
      %swap3A_153 = arith.constant 11 : i32
      %swap3A_154 = arith.index_cast %swap3A_153 : i32 to index
      %swap3A_155 = arith.index_cast %mul3A_10 : i32 to index
      %swap3A_156 = tpu.vector_load %arg5[%swap3A_154, %swap3A_155] {strides = array<i32>} : memref<20x512xf32, #tpu.memory_space<vmem>>, vector<1x16xf32>,
      %swap3A_157 = vector.shape_cast %swap3A_156 : vector<1x16xf32> to vector<16xf32>
      %swap3A_158 = vector.shape_cast %mul3A_152 : vector<16xf32> to vector<1x16xf32>
      tpu.vector_store %arg5[%swap3A_154, %swap3A_155], %swap3A_158 {strides = array<i32>} : memref<20x512xf32, #tpu.memory_space<vmem>>, vector<1x16xf32>,
      %add3A_159 = arith.addf %add3A_40, %get3A_24 : vector<16xf32>
      %mul3A_160 = arith.constant 0.333333343 : f32
      %mul3A_161 = vector.broadcast %mul3A_160 : f32 to vector<16xf32>
      %mul3A_162 = arith.mulf %add3A_159, %mul3A_161 : vector<16xf32>
      %swap3A_163 = arith.constant 12 : i32
      %swap3A_164 = arith.index_cast %swap3A_163 : i32 to index
      %swap3A_165 = arith.index_cast %mul3A_10 : i32 to index
      %swap3A_166 = tpu.vector_load %arg5[%swap3A_164, %swap3A_165] {strides = array<i32>} : memref<20x512xf32, #tpu.memory_space<vmem>>, vector<1x16xf32>,
      %swap3A_167 = vector.shape_cast %swap3A_166 : vector<1x16xf32> to vector<16xf32>
      %swap3A_168 = vector.shape_cast %mul3A_162 : vector<16xf32> to vector<1x16xf32>
      tpu.vector_store %arg5[%swap3A_164, %swap3A_165], %swap3A_168 {strides = array<i32>} : memref<20x512xf32, #tpu.memory_space<vmem>>, vector<1x16xf32>,
      %add3A_169 = arith.addf %add3A_41, %get3A_29 : vector<16xf32>
      %mul3A_170 = arith.constant 0.333333343 : f32
      %mul3A_171 = vector.broadcast %mul3A_170 : f32 to vector<16xf32>
      %mul3A_172 = arith.mulf %add3A_169, %mul3A_171 : vector<16xf32>
      %swap3A_173 = arith.constant 13 : i32
      %swap3A_174 = arith.index_cast %swap3A_173 : i32 to index
      %swap3A_175 = arith.index_cast %mul3A_10 : i32 to index
      %swap3A_176 = tpu.vector_load %arg5[%swap3A_174, %swap3A_175] {strides = array<i32>} : memref<20x512xf32, #tpu.memory_space<vmem>>, vector<1x16xf32>,
      %swap3A_177 = vector.shape_cast %swap3A_176 : vector<1x16xf32> to vector<16xf32>
      %swap3A_178 = vector.shape_cast %mul3A_172 : vector<16xf32> to vector<1x16xf32>
      tpu.vector_store %arg5[%swap3A_174, %swap3A_175], %swap3A_178 {strides = array<i32>} : memref<20x512xf32, #tpu.memory_space<vmem>>, vector<1x16xf32>,
      %add3A_179 = arith.addf %add3A_42, %get3A_34 : vector<16xf32>
      %mul3A_180 = arith.constant 0.333333343 : f32
      %mul3A_181 = vector.broadcast %mul3A_180 : f32 to vector<16xf32>
      %mul3A_182 = arith.mulf %add3A_179, %mul3A_181 : vector<16xf32>
      %swap3A_183 = arith.constant 14 : i32
      %swap3A_184 = arith.index_cast %swap3A_183 : i32 to index
      %swap3A_185 = arith.index_cast %mul3A_10 : i32 to index
      %swap3A_186 = tpu.vector_load %arg5[%swap3A_184, %swap3A_185] {strides = array<i32>} : memref<20x512xf32, #tpu.memory_space<vmem>>, vector<1x16xf32>,
      %swap3A_187 = vector.shape_cast %swap3A_186 : vector<1x16xf32> to vector<16xf32>
      %swap3A_188 = vector.shape_cast %mul3A_182 : vector<16xf32> to vector<1x16xf32>
      tpu.vector_store %arg5[%swap3A_184, %swap3A_185], %swap3A_188 {strides = array<i32>} : memref<20x512xf32, #tpu.memory_space<vmem>>, vector<1x16xf32>,
      %add3A_189 = arith.addf %add3A_40, %get3A_34 : vector<16xf32>
      %mul3A_190 = arith.constant 0.333333343 : f32
      %mul3A_191 = vector.broadcast %mul3A_190 : f32 to vector<16xf32>
      %mul3A_192 = arith.mulf %add3A_189, %mul3A_191 : vector<16xf32>
      %swap3A_193 = arith.constant 15 : i32
      %swap3A_194 = arith.index_cast %swap3A_193 : i32 to index
      %swap3A_195 = arith.index_cast %mul3A_10 : i32 to index
      %swap3A_196 = tpu.vector_load %arg5[%swap3A_194, %swap3A_195] {strides = array<i32>} : memref<20x512xf32, #tpu.memory_space<vmem>>, vector<1x16xf32>,
      %swap3A_197 = vector.shape_cast %swap3A_196 : vector<1x16xf32> to vector<16xf32>
      %swap3A_198 = vector.shape_cast %mul3A_192 : vector<16xf32> to vector<1x16xf32>
      tpu.vector_store %arg5[%swap3A_194, %swap3A_195], %swap3A_198 {strides = array<i32>} : memref<20x512xf32, #tpu.memory_space<vmem>>, vector<1x16xf32>,
      %add3A_199 = arith.addf %add3A_48, %get3A_39 : vector<16xf32>
      %mul3A_200 = arith.constant 0.333333343 : f32
      %mul3A_201 = vector.broadcast %mul3A_200 : f32 to vector<16xf32>
      %mul3A_202 = arith.mulf %add3A_199, %mul3A_201 : vector<16xf32>
      %swap3A_203 = arith.constant 16 : i32
      %swap3A_204 = arith.index_cast %swap3A_203 : i32 to index
      %swap3A_205 = arith.index_cast %mul3A_10 : i32 to index
      %swap3A_206 = tpu.vector_load %arg5[%swap3A_204, %swap3A_205] {strides = array<i32>} : memref<20x512xf32, #tpu.memory_space<vmem>>, vector<1x16xf32>,
      %swap3A_207 = vector.shape_cast %swap3A_206 : vector<1x16xf32> to vector<16xf32>
      %swap3A_208 = vector.shape_cast %mul3A_202 : vector<16xf32> to vector<1x16xf32>
      tpu.vector_store %arg5[%swap3A_204, %swap3A_205], %swap3A_208 {strides = array<i32>} : memref<20x512xf32, #tpu.memory_space<vmem>>, vector<1x16xf32>,
      %add3A_209 = arith.addf %add3A_49, %get3A_39 : vector<16xf32>
      %mul3A_210 = arith.constant 0.333333343 : f32
      %mul3A_211 = vector.broadcast %mul3A_210 : f32 to vector<16xf32>
      %mul3A_212 = arith.mulf %add3A_209, %mul3A_211 : vector<16xf32>
      %swap3A_213 = arith.constant 17 : i32
      %swap3A_214 = arith.index_cast %swap3A_213 : i32 to index
      %swap3A_215 = arith.index_cast %mul3A_10 : i32 to index
      %swap3A_216 = tpu.vector_load %arg5[%swap3A_214, %swap3A_215] {strides = array<i32>} : memref<20x512xf32, #tpu.memory_space<vmem>>, vector<1x16xf32>,
      %swap3A_217 = vector.shape_cast %swap3A_216 : vector<1x16xf32> to vector<16xf32>
      %swap3A_218 = vector.shape_cast %mul3A_212 : vector<16xf32> to vector<1x16xf32>
      tpu.vector_store %arg5[%swap3A_214, %swap3A_215], %swap3A_218 {strides = array<i32>} : memref<20x512xf32, #tpu.memory_space<vmem>>, vector<1x16xf32>,
      %add3A_219 = arith.addf %add3A_50, %get3A_39 : vector<16xf32>
      %mul3A_220 = arith.constant 0.333333343 : f32
      %mul3A_221 = vector.broadcast %mul3A_220 : f32 to vector<16xf32>
      %mul3A_222 = arith.mulf %add3A_219, %mul3A_221 : vector<16xf32>
      %swap3A_223 = arith.constant 18 : i32
      %swap3A_224 = arith.index_cast %swap3A_223 : i32 to index
      %swap3A_225 = arith.index_cast %mul3A_10 : i32 to index
      %swap3A_226 = tpu.vector_load %arg5[%swap3A_224, %swap3A_225] {strides = array<i32>} : memref<20x512xf32, #tpu.memory_space<vmem>>, vector<1x16xf32>,
      %swap3A_227 = vector.shape_cast %swap3A_226 : vector<1x16xf32> to vector<16xf32>
      %swap3A_228 = vector.shape_cast %mul3A_222 : vector<16xf32> to vector<1x16xf32>
      tpu.vector_store %arg5[%swap3A_224, %swap3A_225], %swap3A_228 {strides = array<i32>} : memref<20x512xf32, #tpu.memory_space<vmem>>, vector<1x16xf32>,
      %add3A_229 = arith.addf %add3A_51, %get3A_39 : vector<16xf32>
      %mul3A_230 = arith.constant 0.333333343 : f32
      %mul3A_231 = vector.broadcast %mul3A_230 : f32 to vector<16xf32>
      %mul3A_232 = arith.mulf %add3A_229, %mul3A_231 : vector<16xf32>
      %swap3A_233 = arith.constant 19 : i32
      %swap3A_234 = arith.index_cast %swap3A_233 : i32 to index
      %swap3A_235 = arith.index_cast %mul3A_10 : i32 to index
      %swap3A_236 = tpu.vector_load %arg5[%swap3A_234, %swap3A_235] {strides = array<i32>} : memref<20x512xf32, #tpu.memory_space<vmem>>, vector<1x16xf32>,
      %swap3A_237 = vector.shape_cast %swap3A_236 : vector<1x16xf32> to vector<16xf32>
      %swap3A_238 = vector.shape_cast %mul3A_232 : vector<16xf32> to vector<1x16xf32>
      tpu.vector_store %arg5[%swap3A_234, %swap3A_235], %swap3A_238 {strides = array<i32>} : memref<20x512xf32, #tpu.memory_space<vmem>>, vector<1x16xf32>,
    }
    %scan3A_7 = arith.constant 32 : i32
    "tpu.region"() ({
      %run_scoped3A = tpu.sem_alloc : memref<!tpu.dma_semaphore, #tpu.memory_space<semaphore_mem>>
      %dma_start3A = arith.constant 0 : i32
      %dma_start3A_8 = tpu.memref_slice %arg3[%dma_start3A, %mul3A_2] : memref<20x16384xf32, #tpu.memory_space<hbm>> -> memref<20x512xf32, #tpu.memory_space<hbm>>
      %dma_start3A_9 = arith.constant 0 : i32
      %dma_start3A_10 = tpu.memref_slice %arg3[%dma_start3A_9, %mul3A_2] : memref<20x16384xf32, #tpu.memory_space<hbm>> -> memref<20x512xf32, #tpu.memory_space<hbm>>
      tpu.enqueue_dma source(%arg5 : memref<20x512xf32, #tpu.memory_space<vmem>>) target(%dma_start3A_10 : memref<20x512xf32, #tpu.memory_space<hbm>>) target_semaphore(%run_scoped3A : memref<!tpu.dma_semaphore, #tpu.memory_space<semaphore_mem>>)
      %dma_wait3A = arith.constant 0 : i32
      %dma_wait3A_11 = tpu.memref_slice %arg3[%dma_wait3A, %mul3A_2] : memref<20x16384xf32, #tpu.memory_space<hbm>> -> memref<20x512xf32, #tpu.memory_space<hbm>>
      %dma_wait3A_12 = arith.constant 0 : i32
      %dma_wait3A_13 = tpu.memref_slice %arg3[%dma_wait3A_12, %mul3A_2] : memref<20x16384xf32, #tpu.memory_space<hbm>> -> memref<20x512xf32, #tpu.memory_space<hbm>>
      tpu.wait_dma2 semaphore(%run_scoped3A : memref<!tpu.dma_semaphore, #tpu.memory_space<semaphore_mem>>) src(%arg5 : memref<20x512xf32, #tpu.memory_space<vmem>>) dst(%dma_wait3A_13 : memref<20x512xf32, #tpu.memory_space<hbm>>)
      tpu.yield
    }) : () -> ()
    return
  }
}

</mosaic_0001>

<sc_bundles>
// kernel: kernel.3.cloned.1.call-start
scs
__scs_entry_jumppad:
0x0: {  	(pc) =	sbr.rel $0x88, $3  }
0x1: {  	(tag) =	ssettag $0x0;
	lr =	simm.s32 $0x1  }
0x2: {  	[smem:$0x3FA0] =	sst lr;
	_ =	strace $0xD0000000  }
0x3: {  	_ = 	snop  }
0x4: {  	_ = 	snop  }
0x5: {  	_ = 	snop  }
0x6: {  	_ = 	snop  }
0x7: {  	_ = 	snop  }
__scs_overlays_trampoline_lowered:
0x8: {  	[smem:$0x3FAF] =	sst s0  }
0x9: {  	[smem:$0x3FB0] =	sst s1  }
0xa: {  	[smem:$0x3FB1] =	sst s2  }
0xb: {  	[smem:$0x3FB2] =	sst s3  }
0xc: {  	[smem:$0x3FB3] =	sst s4  }
0xd: {  	[smem:$0x3FB4] =	sst s5  }
0xe: {  	[smem:$0x3FB5] =	sst s6  }
0xf: {  	[smem:$0x3FB6] =	sst s7  }
0x10: {  	[smem:$0x3FB7] =	sst s8  }
0x11: {  	[smem:$0x3FB8] =	sst s9;
	s0 =	simm.s32 @!p0 $0x0  }
0x12: {  	s1 =	sld [smem:$0x3F9E];
	s0 =	simm.s32 @p0 $0x1  }
0x13: {  	[smem:$0x3FB9] =	sst s0;
	s0 =	simm.s32 @!p1 $0x0  }
0x14: {  	s2 =	sld [smem:$0x3F9D];
	s0 =	simm.s32 @p1 $0x1  }
0x15: {  	[smem:$0x3FBA] =	sst s0;
	s0 =	simm.s32 @!p2 $0x0  }
0x16: {  	s3 =	sld [smem:$0x3FDB];
	s0 =	simm.s32 @p2 $0x1  }
0x17: {  	s4 =	simm.s32 $0x1BF5;
	[smem:$0x3FBC] =	sst s0  }
0x18: {  	s0 =	sld [smem:$0x3F9F];
	_ =	swait.ge [sflag:s4], $0x0  }
0x19: {  	s7 =	sld [smem:$0x3FA0]  }
0x1a: {  	s8 =	sadd.s32 $0xFFFFE003, lr  }
0x1b: {  	s9 =	sadd.s32 $0xFFFFFEF7, lr;
	s5 =	simm.s32 $0xFFFFFFFF;
	p2 =	slt.u32 s8, $0xFFFFF086  }
0x1c: {  	p1 =	slt.u32 s9, $0xF7A;
	s5 =	simm.s32 @!p2 $0x0  }
0x1d: {  	s5 =	simm.s32 @p1 $0x1;
	p0 =	seq.s32 s7, s2  }
0x1e: {  	s7 =	smul.u32 @!p0 $0xF7A, s2;
	p2 =	seq.s32 @!p0 s5, $0x0  }
0x1f: {  	s9 =	smul.u32 $0xF7A, s1;
	s8 =	simm.s32 @!p0 $0x1BF5;
	p2 =	por !p2, p0  }
0x20: {  	[sflag:s8] =	ssyncset.s32 @!p0 $0xFFFFF086;
	s6 =	sadd.s32 @!p0 s3, s7;
	s7 =	simm.s32 @!p0 $0x108  }
0x21: {  	s3 =	sadd.s32 s3, s9;
	s6 =	sadd.s32 @!p0 $0x88, s6;
	s7 =	simm.s32 @p2 $0x1082  }
0x22: {  	[simem:s7], [sflag:s8] =	dma.local @!p0 [hbm:s6], $0xF7A  }
0x23: {  	s9 =	sor.u32 $0xD0000000, s2;
	s6 =	simm.s32 $0x108;
	_ =	swait.ge @!p0 [sflag:s8], $0x0  }
0x24: {  	s3 =	sadd.s32 $0x88, s3;
	s6 =	simm.s32 @!p1 $0x1082;
	[sflag:s4] =	ssyncset.s32 $0xFFFFF086  }
0x25: {  	[simem:s6], [sflag:s4] =	dma.local [hbm:s3], $0xF7A  }
0x26: {  	[smem:$0x3FA0] =	sst s1;
	(tag) =	ssettag s2;
	_ =	strace s9  }
0x27: {  	s1 =	sld [smem:$0x3FB0]  }
0x28: {  	s2 =	sld [smem:$0x3FB1]  }
0x29: {  	s4 =	sld [smem:$0x3FB3]  }
0x2a: {  	p0 =	seq.s32 s5, $0x0;
	s5 =	sld [smem:$0x3FB4]  }
0x2b: {  	s6 =	sld [smem:$0x3FB5]  }
0x2c: {  	s7 =	sld [smem:$0x3FB6]  }
0x2d: {  	s3 =	simm.s32 $0x108;
	s8 =	sld [smem:$0x3FB7]  }
0x2e: {  	s3 =	simm.s32 @!p0 $0x1082;
	s9 =	sld [smem:$0x3FB8]  }
0x2f: {  	lr =	sadd.s32 s0, s3;
	s0 =	sld [smem:$0x3FAF]  }
0x30: {  	s3 =	sld [smem:$0x3FB2]  }
0x31: {  	[smem:$0x3FBB] =	sst s10  }
0x32: {  	s10 =	sld [smem:$0x3FB9];
	_ =	sdelay $0x3  }
0x33: {  	p0 =	seq.s32 s10, $0x1;
	s10 =	sld [smem:$0x3FBB];
	_ =	sdelay $0x3  }
0x34: {  	[smem:$0x3FBB] =	sst s10  }
0x35: {  	s10 =	sld [smem:$0x3FBA];
	_ =	sdelay $0x3  }
0x36: {  	p1 =	seq.s32 s10, $0x1;
	s10 =	sld [smem:$0x3FBB];
	_ =	sdelay $0x3  }
0x37: {  	[smem:$0x3FBB] =	sst s10  }
0x38: {  	s10 =	sld [smem:$0x3FBC]  }
0x39: {  	_ = 	snop;
	(pc) =	sbr.ind lr, $3  }
0x3a: {  	_ = 	snop  }
0x3b: {  	_ = 	snop  }
0x3c: {  	p2 =	seq.s32 s10, $0x1;
	s10 =	sld [smem:$0x3FBB]  }
0x3d: {  	_ =	shalt  }
0x3e: {  	_ =	shalt  }
0x3f: {  	_ =	shalt  }
0x40: {  	_ =	shalt  }
0x41: {  	_ =	shalt  }
0x42: {  	_ =	shalt  }
0x43: {  	_ =	shalt  }
0x44: {  	_ =	shalt  }
0x45: {  	_ =	shalt  }
0x46: {  	_ =	shalt  }
0x47: {  	_ =	shalt  }
0x48: {  	_ =	shalt  }
0x49: {  	_ =	shalt  }
0x4a: {  	_ =	shalt  }
0x4b: {  	_ =	shalt  }
0x4c: {  	_ =	shalt  }
0x4d: {  	_ =	shalt  }
0x4e: {  	_ =	shalt  }
0x4f: {  	_ =	shalt  }
0x50: {  	_ =	shalt  }
0x51: {  	_ =	shalt  }
0x52: {  	_ =	shalt  }
0x53: {  	_ =	shalt  }
0x54: {  	_ =	shalt  }
0x55: {  	_ =	shalt  }
0x56: {  	_ =	shalt  }
0x57: {  	_ =	shalt  }
0x58: {  	_ =	shalt  }
0x59: {  	_ =	shalt  }
0x5a: {  	_ =	shalt  }
0x5b: {  	_ =	shalt  }
0x5c: {  	_ =	shalt  }
0x5d: {  	_ =	shalt  }
0x5e: {  	_ =	shalt  }
0x5f: {  	_ =	shalt  }
0x60: {  	_ =	shalt  }
0x61: {  	_ =	shalt  }
0x62: {  	_ =	shalt  }
0x63: {  	_ =	shalt  }
0x64: {  	_ =	shalt  }
0x65: {  	_ =	shalt  }
0x66: {  	_ =	shalt  }
0x67: {  	_ =	shalt  }
0x68: {  	_ =	shalt  }
0x69: {  	_ =	shalt  }
0x6a: {  	_ =	shalt  }
0x6b: {  	_ =	shalt  }
0x6c: {  	_ =	shalt  }
0x6d: {  	_ =	shalt  }
0x6e: {  	_ =	shalt  }
0x6f: {  	_ =	shalt  }
0x70: {  	_ =	shalt  }
0x71: {  	_ =	shalt  }
0x72: {  	_ =	shalt  }
0x73: {  	_ =	shalt  }
0x74: {  	_ =	shalt  }
0x75: {  	_ =	shalt  }
0x76: {  	_ =	shalt  }
0x77: {  	_ =	shalt  }
0x78: {  	_ =	shalt  }
0x79: {  	_ =	shalt  }
0x7a: {  	_ =	shalt  }
0x7b: {  	_ =	shalt  }
0x7c: {  	_ =	shalt  }
0x7d: {  	_ =	shalt  }
0x7e: {  	_ =	shalt  }
0x7f: {  	_ =	shalt  }
0x80: {  	_ =	shalt  }
0x81: {  	_ =	shalt  }
0x82: {  	_ =	shalt  }
0x83: {  	_ =	shalt  }
0x84: {  	_ =	shalt  }
0x85: {  	_ =	shalt  }
0x86: {  	_ =	shalt  }
0x87: {  	_ =	shalt  }
.Lfunc_end0:
.L_simem_size_0:
called_computation_lowered:
.L_overlay_start_0:
0x88: {  	s2 =	sld [smem:$0x3FD9]  }
0x89: {  	s3 =	sld [smem:$0x3FFE];
	_ =	sdelay $0x1  }
0x8a: {  	s1 =	srdreg.scid  }
0x8b: {  	s0 =	sand.u32 $0x1, s1  }
0x8c: {  	s18 =	sshll.u32 s0, $0xA;
	s2 =	sadd.s32 s3, s2  }
0x8d: {  	s2 =	sadd.s32 s2, s18  }
0x8e: {  	[smem:$0x3FC7] =	sst s2  }
0x8f: {  	_ = 	snop  }
0x90: {  	s2 =	sld [smem:$0x3FC9]  }
0x91: {  	s19 =	sld [smem:$0x3FD0];
	(tm) =	ssettm $0x1  }
0x92: {  	s4 =	sld [smem:$0x3FFB];
	_ =	sdelay $0x3  }
0x93: {  	_ =	strace s4  }
0x94: {  	s4 =	sld [smem:$0x3FFC];
	_ =	sdelay $0x3  }
0x95: {  	_ =	strace s4  }
0x96: {  	s4 =	sld [smem:$0x3FFD];
	_ =	sdelay $0x3  }
0x97: {  	_ =	strace s4  }
0x98: {  	_ =	strace $0x8FFFFFFF  }
0x99: {  	s20 =	sld [smem:$0x3FDB];
	_ =	sdelay $0x1  }
0x9a: {  	s5 =	simm.s32 $_scs_section_size  }
0x9b: {  	s6 =	simm.s32 $_size__tile_overlayer_lowered;
	s7 =	simm.s32 $_tile_overlayer_lowered  }
0x9c: {  	s23 =	simm.s32 $0x1BFF;
	s22 =	sshll.u32 s7, $0x1;
	s4 =	sadd.s32 s5, s20  }
0x9d: {  	s8 =	simm.s32 $0x0;
	s21 =	sshll.u32 s6, $0x1;
	s6 =	sadd.s32 s22, s4  }
0x9e: {  	[timem:s8], [sflag:s23] =	dma.local [hbm:s6], s21  }
0x9f: {  	_ =	swait.ge [sflag:s23], s21  }
0xa0: {  	s5 =	ssub.s32 $0x0, s21;
	[sflag:s23] =	ssyncset.done $0x0  }
0xa1: {  	[sflag:s23] =	ssyncadd.s32 s5;
	_ =	sdelay $0x1  }
0xa2: {  	s24 =	simm.s32 $0x1B8B  }
0xa3: {  	_ =	swait.ge [sflag:s24], $0x1  }
0xa4: {  	[sflag:s24] =	ssyncset.done $0x0  }
0xa5: {  	s25 =	simm.s32 $0x1B8E;
	[sflag:s24] =	ssyncadd.s32 $0xFFFFFFFF  }
0xa6: {  	s26 =	simm.s32 $execute0_lowered;
	[smem:$0x3FD2] =	sst s25  }
0xa7: {  	s5 =	sshll.u32 s26, $0x1;
	_ =	strace $0x80000046;
	[dreg:$0x1] =	wrdreg $0xFFFFFFFF  }
0xa8: {  	s28 =	simm.s32 $_size_execute0_lowered;
	s4 =	sadd.s32 s4, s5;
	[dreg:$0x0] =	wrdreg $0x0  }
0xa9: {  	s5 =	sshll.u32 s28, $0x1;
	[dreg:$0x2] =	wrdreg s4  }
0xaa: {  	[dreg:$0x3] =	wrdreg s5  }
0xab: {  	[dreg:$0x4] =	wrdreg $0xC0  }
0xac: {  	_ =	task [dreg:s8], $0x5FFFF  }
0xad: {  	[dreg:$0x1] =	wrdreg $0xFFFFFFFF  }
0xae: {  	[dreg:$0x0] =	wrdreg $0x60  }
0xaf: {  	[dreg:$0x2] =	wrdreg s2  }
0xb0: {  	[dreg:$0x3] =	wrdreg s19  }
0xb1: {  	[dreg:$0x4] =	wrdreg $0x9  }
0xb2: {  	_ =	task.clear_ibuf [dreg:s8], $0x5FFFF;
	_ =	strace $0x90000046  }
0xb3: {  	s29 =	simm.s32 $0x9;
	_ =	strace $0x80000048  }
0xb4: {  	_ =	swait.ge [sflag:s29], $0x1  }
0xb5: {  	[sflag:s29] =	ssyncadd.s32 $0xFFFFFFFF  }
0xb6: {  	_ =	strace $0x90000048  }
0xb7: {  	_ =	sfence  }
0xb8: {  	s30 =	sld [smem:$0x0];
	_ =	sdelay $0x2  }
0xb9: {  	s31 =	sshll.u32 s1, $0xD;
	s1 =	sshrl.u32 s1, $0x2  }
0xba: {  	s3 =	sand.u32 $0x4000, s31;
	s1 =	sadd.s32 s1, s30  }
0xbb: {  	s0 =	sor.u32 s3, s0;
	s1 =	sshll.u32 s1, $0x11  }
0xbc: {  	s0 =	sor.u32 s1, s0  }
0xbd: {  	s0 =	sadd.s32 $0x8F2B, s0  }
0xbe: {  	[sflag:s0] =	ssyncadd.remote.s32 $0x1  }
0xbf: {  	_ =	sfence.sel $0xFFFF  }
0xc0: {  	[dreg:$0x0] =	wrdreg $0xFFFFFFFF;
	(pc) =	sbr.abs _section_cstart, $3  }
0xc1: {  	[dreg:$0x1] =	wrdreg $0xFFFFFFFF  }
0xc2: {  	_ =	task.clear_ibuf [dreg:s8], $0x2FFFF;
	_ =	strace $0x9FFFFFFF  }
0xc3: {  	(tm) =	ssettm $0x7FFFFFFF  }
tec
execute0_lowered:
.L_overlay_start_1:
0x0: {  	(tag) =	ssettag $0x1  }
0x1: {  	s3 =	rddreg [dreg:$0x0]  }
0x2: {  	s4 =	rddreg [dreg:$0x1]  }
0x3: {  	s0 =	rddreg [dreg:$0x2];
	s5 =	srdreg.scid  }
0x4: {  	s2 =	simm.s32 $0x0;
	s1 =	stileid.u32;
	s9 =	simm.s32 $0x0  }
0x5: {  	s5 =	sand.u32 $0x1, s5;
	s7 =	sshll.u32 s1, $0xA;
	[smem:$0x7FF] =	sst s2  }
0x6: {  	s6 =	ssub.s32 $0x2, s5;
	s5 =	sshll.u32 s5, $0x9;
	_ =	strace $0x80000047  }
0x7: {  	s8 =	sshrl.u32 s6, $0x1;
	s5 =	sor.u32 s5, s7;
	s7 =	simm.s32 $0x20000  }
0x8: {  	s6 =	ssub.s32 s6, s8;
	s3 =	sadd.s32 s3, s5;
	s4 =	sadd.s32 s4, s5  }
0x9: {  	s8 =	simm.s32 $0x1000;
	s5 =	smax.u32 s6, $0x1;
	s6 =	simm.s32 $0x1  }
.LBB2_1:
0xa: {  	[tilespmem:s2], [sflag:$0x1] =	stream.linear.gather [hbm4b:s3+s2], $0x1000, $0x38;
	[tilespmem:$0x4000] =	vst v63  }
0xb: {  	_ =	swait.ge [sflag:s6], $0x1000  }
0xc: {  	s11 =	sand.u32 $0xC00, s2;
	s10 =	sand.u32 $0x70, s2;
	[sflag:s6] =	ssyncset.done $0x0  }
0xd: {  	s10 =	sor.u32 s10, s11;
	[sflag:s6] =	ssyncadd.s32 $0xFFFFF000  }
0xe: {  	v1 =	vld [tilespmem:s10+$0x100]  }
0xf: {  	v9 =	vld [tilespmem:s10+$0x80]  }
0x10: {  	s11 =	sor.u32 s11, s2;
	v8 =	vld [tilespmem:s10+$0x0]  }
0x11: {  	s14 =	sor.u32 $0x180, s11;
	v2 =	vld [tilespmem:s10+$0x200]  }
0x12: {  	v3 =	vld [tilespmem:s14+$0x0]  }
0x13: {  	v7 =	vld [tilespmem:s10+$0x280];
	_ =	sdelay $0x1  }
0x14: {  	v5 =	vadd.f32 v1, v9  }
0x15: {  	v4 =	vadd.f32 v9, v8;
	v6 =	vadd.f32 v1, v8  }
0x16: {  	v0 =	vadd.f32 v2, v9;
	v11 =	vadd.f32 v2, v8  }
0x17: {  	v8 =	vadd.f32 v3, v8;
	v10 =	vadd.f32 v7, v9;
	v15 =	vmul.f32 $5.000000000e-01, v4  }
0x18: {  	v13 =	vadd.f32 v7, v3;
	v9 =	vadd.f32 v7, v2;
	v14 =	vmul.f32 $5.000000000e-01, v6  }
0x19: {  	s12 =	simm.s32 $0x10;
	s13 =	simm.s32 $0x0;
	s11 =	sor.u32 s2, s2;
	v12 =	vmul.f32 $5.000000000e-01, v11;
	v11 =	vadd.f32 v7, v1;
	[tilespmem:s10+$0x1000] =	vst v15;
	v15 =	vmul.f32 $5.000000000e-01, v8  }
.LBB2_2:
0x1a: {  	p0 =	sne.s32 s12, $0x1F0  }
0x1b: {  	v16 =	vadd.f32 v2, v3;
	[tilespmem:s10+$0x1080] =	vst v14;
	v14 =	vadd.f32 v7, v0;
	s13 =	sadd.s32 $0x80, s13;
	s15 =	smov.u32 s12;
	s12 =	sadd.s32 $0x10, s12  }
0x1c: {  	v17 =	vadd.f32 v3, v1;
	v13 =	vmul.f32 $5.000000000e-01, v13;
	s16 =	sor.u32 s13, s15;
	[tilespmem:s10+$0x1100] =	vst v15;
	v15 =	vadd.f32 v7, v5  }
0x1d: {  	v10 =	vmul.f32 $5.000000000e-01, v10;
	v8 =	vadd.f32 v2, v8;
	[tilespmem:s14+$0x1000] =	vst v12;
	v12 =	vadd.f32 v7, v16  }
0x1e: {  	v2 =	vadd.f32 v2, v4;
	v11 =	vmul.f32 $5.000000000e-01, v11;
	v7 =	vadd.f32 v7, v17;
	[tilespmem:s10+$0x1300] =	vst v13  }
0x1f: {  	v1 =	vadd.f32 v1, v4;
	v3 =	vadd.f32 v3, v6;
	v9 =	vmul.f32 $5.000000000e-01, v9;
	[tilespmem:s10+$0x1200] =	vst v10  }
0x20: {  	v4 =	vmul.f32 $5.000000000e-01, v5;
	s14 =	sor.u32 $0x380, s11;
	s11 =	smov.u32 s16;
	[tilespmem:s10+$0x1280] =	vst v11  }
0x21: {  	v5 =	vmul.f32 $3.333333430e-01, v14;
	[tilespmem:s14+$0x1000] =	vst v9  }
0x22: {  	[tilespmem:s10+$0x2000] =	vst v4;
	v4 =	vmul.f32 $3.333333430e-01, v12  }
0x23: {  	v6 =	vmul.f32 $3.333333430e-01, v7;
	[tilespmem:s10+$0x3180] =	vst v5  }
0x24: {  	v5 =	vmul.f32 $3.333333430e-01, v15;
	[tilespmem:s10+$0x3100] =	vst v4  }
0x25: {  	v2 =	vmul.f32 $3.333333430e-01, v2;
	[tilespmem:s10+$0x3080] =	vst v6  }
0x26: {  	s14 =	sand.u32 $0xC00, s13;
	v4 =	vmul.f32 $3.333333430e-01, v8;
	[tilespmem:s10+$0x3000] =	vst v5  }
0x27: {  	s16 =	sand.u32 $0x70, s15;
	v3 =	vmul.f32 $3.333333430e-01, v3;
	s15 =	sor.u32 s14, s15;
	[tilespmem:s10+$0x2380] =	vst v2  }
0x28: {  	s16 =	sor.u32 s16, s14;
	s14 =	sor.u32 $0x180, s15;
	v5 =	vmul.f32 $3.333333430e-01, v1;
	[tilespmem:s10+$0x2300] =	vst v4  }
0x29: {  	v0 =	vmul.f32 $5.000000000e-01, v0;
	v2 =	vld [tilespmem:s16+$0x200];
	[tilespmem:s10+$0x2280] =	vst v3  }
0x2a: {  	v4 =	vmul.f32 $5.000000000e-01, v16;
	v3 =	vmul.f32 $5.000000000e-01, v17;
	v1 =	vld [tilespmem:s16+$0x100];
	[tilespmem:s10+$0x2200] =	vst v5  }
0x2b: {  	v9 =	vld [tilespmem:s16+$0x80];
	[tilespmem:s10+$0x2180] =	vst v0  }
0x2c: {  	v8 =	vld [tilespmem:s16+$0x0];
	[tilespmem:s10+$0x2080] =	vst v3  }
0x2d: {  	[tilespmem:s10+$0x2100] =	vst v4;
	s10 =	smov.u32 s16  }
0x2e: {  	v3 =	vld [tilespmem:s14+$0x0]  }
0x2f: {  	v7 =	vld [tilespmem:s10+$0x280]  }
0x30: {  	v5 =	vadd.f32 v1, v9;
	v0 =	vadd.f32 v2, v9  }
.Ltmp0:
0x31: {  	v4 =	vadd.f32 v9, v8;
	v6 =	vadd.f32 v1, v8;
	(pc) =	sbr.rel @p0 .LBB2_2-.Ltmp0, $4  }
0x32: {  	v11 =	vadd.f32 v2, v8  }
0x33: {  	v8 =	vadd.f32 v3, v8;
	v15 =	vmul.f32 $5.000000000e-01, v4;
	v14 =	vmul.f32 $5.000000000e-01, v6  }
0x34: {  	v12 =	vmul.f32 $5.000000000e-01, v11;
	v10 =	vadd.f32 v7, v9;
	v13 =	vadd.f32 v7, v3  }
0x35: {  	v11 =	vadd.f32 v7, v1;
	v9 =	vadd.f32 v7, v2;
	[tilespmem:s10+$0x1000] =	vst v15;
	v15 =	vmul.f32 $5.000000000e-01, v8  }
0x36: {  	[tilespmem:s10+$0x1080] =	vst v14  }
0x37: {  	v13 =	vmul.f32 $5.000000000e-01, v13;
	[tilespmem:s10+$0x1100] =	vst v15  }
0x38: {  	v10 =	vmul.f32 $5.000000000e-01, v10;
	[tilespmem:s14+$0x1000] =	vst v12  }
0x39: {  	v11 =	vmul.f32 $5.000000000e-01, v11;
	[tilespmem:s10+$0x1300] =	vst v13  }
0x3a: {  	v47 =	vadd.f32 v7, v0;
	v9 =	vmul.f32 $5.000000000e-01, v9;
	[tilespmem:s10+$0x1200] =	vst v10  }
0x3b: {  	s11 =	sor.u32 $0x380, s11;
	v50 =	vmul.f32 $5.000000000e-01, v5;
	v53 =	vadd.f32 v7, v5;
	[tilespmem:s10+$0x1280] =	vst v11  }
0x3c: {  	v55 =	vadd.f32 v2, v4;
	v52 =	vmul.f32 $3.333333430e-01, v47;
	[tilespmem:s11+$0x1000] =	vst v9  }
0x3d: {  	v57 =	vadd.f32 v2, v8;
	v5 =	vmul.f32 $3.333333430e-01, v53;
	[tilespmem:s10+$0x2000] =	vst v50  }
0x3e: {  	v58 =	vadd.f32 v3, v6;
	v59 =	vmul.f32 $3.333333430e-01, v55;
	[tilespmem:s10+$0x3180] =	vst v52  }
0x3f: {  	v46 =	vadd.f32 v2, v3;
	v60 =	vadd.f32 v1, v4;
	v2 =	vmul.f32 $3.333333430e-01, v57;
	[tilespmem:s10+$0x3000] =	vst v5  }
0x40: {  	v48 =	vadd.f32 v3, v1;
	v3 =	vmul.f32 $3.333333430e-01, v58;
	[tilespmem:s10+$0x2380] =	vst v59  }
0x41: {  	v1 =	vmul.f32 $3.333333430e-01, v60;
	[tilespmem:s10+$0x2300] =	vst v2  }
0x42: {  	v61 =	vmul.f32 $5.000000000e-01, v0;
	[tilespmem:s10+$0x2280] =	vst v3  }
0x43: {  	v49 =	vadd.f32 v7, v46;
	v62 =	vmul.f32 $5.000000000e-01, v48;
	[tilespmem:s10+$0x2200] =	vst v1  }
0x44: {  	v51 =	vadd.f32 v7, v48;
	v63 =	vmul.f32 $5.000000000e-01, v46;
	[tilespmem:s10+$0x2180] =	vst v61  }
0x45: {  	v54 =	vmul.f32 $3.333333430e-01, v49;
	[tilespmem:s10+$0x2080] =	vst v62  }
0x46: {  	s9 =	sadd.s32 $0x1, s9;
	v56 =	vmul.f32 $3.333333430e-01, v51;
	[tilespmem:s10+$0x2100] =	vst v63  }
0x47: {  	p0 =	sne.s32 s9, s5;
	[tilespmem:s10+$0x3100] =	vst v54  }
.Ltmp1:
0x48: {  	[tilespmem:s10+$0x3080] =	vst v56;
	(pc) =	sbr.rel @p0 .LBB2_1-.Ltmp1, $4  }
0x49: {  	[hbm4b:s4+s8] =	stream.strided.scatter [tilespmem:s8], [sflag:$0x1], $0x3000, s7, s8, $0x38;
	[tilespmem:$0x4000] =	vst v63  }
0x4a: {  	_ =	swait.ge [sflag:s6], $0x3000  }
0x4b: {  	[sflag:s6] =	ssyncset.done $0x0  }
0x4c: {  	[sflag:s6] =	ssyncadd.s32 $0xFFFFD000  }
0x4d: {  	_ =	sfence.sel $0x180000  }
0x4e: {  	[bflag:$0x0] =	sbarrier.arrive $0xFFFF  }
0x4f: {  	p0 =	sne.s32 s1, $0x0;
	_ =	strace $0x90000047  }
0x50: {  	s0 =	sadd.s32 @!p0 $0x100000, s0;
	[bflag:$0x2] =	sbarrier.arrive $0xFFFF  }
0x51: {  	[sflag:s0] =	ssyncadd.tile.s32 @!p0 $0x1;
	_ =	shalt  }
.Lfunc_end2:
_tile_overlayer_lowered:
.L_overlay_start_2:
0x52: {  	(tag) =	ssettag $0x2  }
0x53: {  	s0 =	rddreg [dreg:$0x0];
	s2 =	stileid.u32  }
0x54: {  	s1 =	rddreg [dreg:$0x1];
	p0 =	sne.s32 s2, $0x0  }
0x55: {  	s3 =	rddreg [dreg:$0x2];
	[bflag:$0x3] =	sbarrier.arrive $0xFFFF;
	s2 =	simm.s32 @!p0 $0x1C01  }
0x56: {  	[timem:s3], [sflag:s2] =	dma.local @!p0 [hbm:s0], s1  }
0x57: {  	s0 =	simm.s32 @!p0 $0x1  }
0x58: {  	_ =	swait.ge @!p0 [sflag:s0], s1  }
0x59: {  	s1 =	ssub.s32 @!p0 $0x0, s1;
	[sflag:s0] =	ssyncset.done @!p0 $0x0  }
0x5a: {  	[sflag:s0] =	ssyncadd.s32 @!p0 s1  }
0x5b: {  	[bflag:$0x3] =	sbarrier.arrive $0xFFFF  }
0x5c: {  	_ =	shalt  }

</sc_bundles>
